<compile_context>
chip_gen: v7x
topology: tpu7x:2x2x1
jax: 0.10.2.dev20260603
libtpu: 0.0.44.dev20260713+nightly
codegen_flags: <defaults>
</compile_context>

<pallas_src>
import functools

import jax
import jax.numpy as jnp
from jax import lax
from jax.experimental import pallas as pl
from jax.experimental.pallas import tpu as pltpu
from jax.experimental.pallas import tpu_sc as plsc

_R = 32
_NVOX = _R ** 3
_B = 16
_C = 64
_N = 32768
_L = 16
_CHUNK = 8192


def _norm_body(coords_ref, nc_ref, flat_ref):
    c = coords_ref[0]
    mean = jnp.mean(c, axis=1, keepdims=True)
    cen = c - mean
    sq = jnp.sum(cen * cen, axis=0, keepdims=True)
    denom = jnp.sqrt(jnp.max(sq)) * 2.0
    nc = cen / denom + 0.5
    nc = jnp.clip(nc * float(_R), 0.0, float(_R - 1))
    nc_ref[0] = nc
    vox = jnp.round(nc).astype(jnp.int32)
    flat_ref[0, 0] = (vox[0] * _R + vox[1]) * _R + vox[2]


def _normalize(coords):
    return pl.pallas_call(
        _norm_body,
        grid=(_B,),
        in_specs=[pl.BlockSpec((1, 3, _N), lambda b: (b, 0, 0))],
        out_specs=[
            pl.BlockSpec((1, 3, _N), lambda b: (b, 0, 0)),
            pl.BlockSpec((1, 1, _N), lambda b: (b, 0, 0)),
        ],
        out_shape=[
            jax.ShapeDtypeStruct((_B, 3, _N), jnp.float32),
            jax.ShapeDtypeStruct((_B, 1, _N), jnp.int32),
        ],
    )(coords)


def _scatter_body(feat_hbm, flat_hbm, out_hbm, idx_v, acc_v, cnt_v, fbuf):
    cid = lax.axis_index("c")
    sid = lax.axis_index("s")
    wid = sid * 2 + cid
    b = wid // 2
    c0 = (wid % 2) * (_C // 2)

    pltpu.sync_copy(flat_hbm.at[b], idx_v)

    zeros = jnp.zeros((_L,), jnp.float32)
    ones = jnp.ones((_L,), jnp.float32)

    def _zero_cnt(i, carry):
        cnt_v[pl.ds(i * _L, _L)] = zeros
        return carry
    lax.fori_loop(0, _NVOX // _L, _zero_cnt, 0)

    def _count(i, carry):
        iv = idx_v[pl.ds(i * _L, _L)]
        plsc.addupdate_scatter(cnt_v, [iv], ones)
        return carry
    lax.fori_loop(0, _N // _L, _count, 0)

    def _recip(i, carry):
        s = pl.ds(i * _L, _L)
        cnt_v[s] = 1.0 / jnp.maximum(cnt_v[s], 1.0)
        return carry
    lax.fori_loop(0, _NVOX // _L, _recip, 0)

    def _channel(c, carry):
        def _zero_acc(i, inner):
            acc_v[pl.ds(i * _L, _L)] = zeros
            return inner
        lax.fori_loop(0, _NVOX // _L, _zero_acc, 0)

        def _chunk(k, inner):
            pltpu.sync_copy(
                feat_hbm.at[b, c0 + c, pl.ds(k * _CHUNK, _CHUNK)], fbuf)

            def _scat(j, inner2):
                iv = idx_v[pl.ds(k * _CHUNK + j * _L, _L)]
                fv = fbuf[pl.ds(j * _L, _L)]
                plsc.addupdate_scatter(acc_v, [iv], fv)
                return inner2
            lax.fori_loop(0, _CHUNK // _L, _scat, 0)
            return inner
        lax.fori_loop(0, _N // _CHUNK, _chunk, 0)

        def _fin(i, inner):
            s = pl.ds(i * _L, _L)
            acc_v[s] = acc_v[s] * cnt_v[s]
            return inner
        lax.fori_loop(0, _NVOX // _L, _fin, 0)

        pltpu.sync_copy(acc_v, out_hbm.at[b, c0 + c])
        return carry
    lax.fori_loop(0, _C // 2, _channel, 0)


def _scatter(features, flat):
    mesh = plsc.VectorSubcoreMesh(core_axis_name="c", subcore_axis_name="s")
    return pl.kernel(
        _scatter_body,
        out_type=jax.ShapeDtypeStruct((_B, _C, _NVOX), jnp.float32),
        mesh=mesh,
        compiler_params=pltpu.CompilerParams(needs_layout_passes=False),
        scratch_types=[
            pltpu.VMEM((_N,), jnp.int32),
            pltpu.VMEM((_NVOX,), jnp.float32),
            pltpu.VMEM((_NVOX,), jnp.float32),
            pltpu.VMEM((_CHUNK,), jnp.float32),
        ],
    )(features, flat)


def kernel(features, coords):
    norm_coords, flat = _normalize(coords)
    flat2 = flat.reshape(_B, _N)
    vox = _scatter(features, flat2)
    return vox.reshape(_B, _C, _R, _R, _R), norm_coords

# --- scband reference (transcript-rebuilt; emitter-appended) ---
"""Pipeline reference for scband-proxy-voxel-conv-80247168958820 (READ-ONLY COPY).

The authoritative reference and input builder live on the scoring server;
editing this copy changes nothing except your own understanding.
"""

import jax, jax.numpy as jnp
import numpy as np

R = 32
EPS = 0.0


def setup_inputs(seed: int = 0) -> dict:
    key = jax.random.key(seed)
    k1, k2 = jax.random.split(key)
    features = jax.random.normal(k1, (16, 64, 32768), dtype=jnp.float32)
    coords = jax.random.normal(k2, (16, 3, 32768), dtype=jnp.float32)
    return {"features": features, "coords": coords}


def _avg_voxelize(feat, flat_idx, r):
    # feat: [C, N], flat_idx: [N] int32 in [0, r^3)
    C, N = feat.shape
    sums = jax.ops.segment_sum(feat.T, flat_idx, num_segments=r ** 3)  # [r^3, C]
    cnt = jax.ops.segment_sum(jnp.ones((N,), jnp.float32), flat_idx, num_segments=r ** 3)  # [r^3]
    avg = sums / jnp.maximum(cnt, 1.0)[:, None]
    return avg.T.reshape(C, r, r, r)


def reference(features, coords):
    # Voxelization.forward (PVCNN): coords is detached in the original.
    r = R
    coords = jax.lax.stop_gradient(coords)
    norm_coords = coords - coords.mean(axis=2, keepdims=True)  # [B,3,N]
    # normalize=True branch
    nrm = jnp.linalg.norm(norm_coords, axis=1, keepdims=True)  # [B,1,N]
    denom = nrm.max(axis=2, keepdims=True) * 2.0 + EPS  # [B,1,1]
    norm_coords = norm_coords / denom + 0.5
    norm_coords = jnp.clip(norm_coords * r, 0, r - 1)
    vox = jnp.round(norm_coords).astype(jnp.int32)  # [B,3,N]
    flat = (vox[:, 0] * r + vox[:, 1]) * r + vox[:, 2]  # [B,N]
    voxel_features = jax.vmap(lambda f, i: _avg_voxelize(f, i, r))(features, flat)  # [B,C,r,r,r]
    return (voxel_features, norm_coords)

if __name__ == "__main__":
    import jax
    _d = setup_inputs()
    print(jax.jit(kernel)(*tuple(_d.values())))

</pallas_src>

<mosaic_0001>
#map = affine_map<(d0, d1) -> (0, 0, 0)>
#map1 = affine_map<(d0, d1) -> (0, 0)>
module attributes {stable_mosaic.version = 14 : i64} {
  func.func @_scatter_body(%arg0: i32, %arg1: i32, %arg2: memref<16x64x32768xf32, #tpu.memory_space<hbm>>, %arg3: memref<16x32768xi32, #tpu.memory_space<hbm>>, %arg4: memref<16x64x32768xf32, #tpu.memory_space<hbm>>, %arg5: memref<32768xi32, #tpu.memory_space<vmem>>, %arg6: memref<32768xf32, #tpu.memory_space<vmem>>, %arg7: memref<32768xf32, #tpu.memory_space<vmem>>, %arg8: memref<8192xf32, #tpu.memory_space<vmem>>) attributes {dimension_semantics = [#tpu.dimension_semantics<core_parallel>, #tpu.dimension_semantics<subcore_parallel>], iteration_bounds = array<i64: 2, 16>, scalar_prefetch = 0 : i64, scratch_operands = 4 : i64, tpu.core_type = #tpu.core_type<sc_vector_subcore>, window_params = [{transform_indices = #map}, {transform_indices = #map1}, {transform_indices = #map}]} {
    %mul3A = arith.constant 2 : i32
    %mul3A_0 = arith.muli %arg1, %mul3A : i32
    %add3A = arith.addi %mul3A_0, %arg0 : i32
    %jit3A = arith.constant 2 : i32
    %div3A = arith.divsi %add3A, %jit3A : i32
    %sign3A = arith.constant 0 : i32
    %sign3A_1 = arith.cmpi sgt, %add3A, %sign3A : i32
    %sign3A_2 = arith.extui %sign3A_1 : i1 to i32
    %sign3A_3 = arith.constant 0 : i32
    %sign3A_4 = arith.cmpi slt, %add3A, %sign3A_3 : i32
    %sign3A_5 = arith.extui %sign3A_4 : i1 to i32
    %sign3A_6 = arith.subi %sign3A_2, %sign3A_5 : i32
    %sign3A_7 = arith.constant 0 : i32
    %sign3A_8 = arith.cmpi sgt, %jit3A, %sign3A_7 : i32
    %sign3A_9 = arith.extui %sign3A_8 : i1 to i32
    %sign3A_10 = arith.constant 0 : i32
    %sign3A_11 = arith.cmpi slt, %jit3A, %sign3A_10 : i32
    %sign3A_12 = arith.extui %sign3A_11 : i1 to i32
    %sign3A_13 = arith.subi %sign3A_9, %sign3A_12 : i32
    %ne3A = arith.cmpi ne, %sign3A_6, %sign3A_13 : i32
    %rem3A = arith.remsi %add3A, %jit3A : i32
    %ne3A_14 = arith.constant 0 : i32
    %ne3A_15 = arith.cmpi ne, %rem3A, %ne3A_14 : i32
    %and3A = arith.andi %ne3A, %ne3A_15 : i1
    %sub3A = arith.constant 1 : i32
    %sub3A_16 = arith.subi %div3A, %sub3A : i32
    %select_n3A = arith.select %and3A, %sub3A_16, %div3A : i32
    %jit3A_17 = arith.constant 2 : i32
    %eq3A = arith.constant 0 : i32
    %eq3A_18 = arith.cmpi eq, %jit3A_17, %eq3A : i32
    %jit3A_19 = arith.constant 1 : i32
    %select_n3A_20 = arith.select %eq3A_18, %jit3A_19, %jit3A_17 : i32
    %rem3A_21 = arith.remsi %add3A, %select_n3A_20 : i32
    %ne3A_22 = arith.constant 0 : i32
    %ne3A_23 = arith.cmpi ne, %rem3A_21, %ne3A_22 : i32
    %lt3A = arith.constant 0 : i32
    %lt3A_24 = arith.cmpi slt, %rem3A_21, %lt3A : i32
    %lt3A_25 = arith.constant 0 : i32
    %lt3A_26 = arith.cmpi slt, %select_n3A_20, %lt3A_25 : i32
    %ne3A_27 = arith.xori %lt3A_24, %lt3A_26 : i1
    %and3A_28 = arith.andi %ne3A_27, %ne3A_23 : i1
    %add3A_29 = arith.addi %rem3A_21, %select_n3A_20 : i32
    %select_n3A_30 = arith.select %and3A_28, %add3A_29, %rem3A_21 : i32
    %mul3A_31 = arith.constant 32 : i32
    %mul3A_32 = arith.muli %select_n3A_30, %mul3A_31 : i32
    "tpu.region"() ({
      %run_scoped3A = tpu.sem_alloc : memref<!tpu.dma_semaphore, #tpu.memory_space<semaphore_mem>>
      %dma_start3A = arith.constant 0 : i32
      %dma_start3A_59 = tpu.memref_slice %arg3[%select_n3A, %dma_start3A] : memref<16x32768xi32, #tpu.memory_space<hbm>> -> memref<1x32768xi32, #tpu.memory_space<hbm>>
      %dma_start3A_60 = tpu.memref_squeeze %dma_start3A_59 : memref<1x32768xi32, #tpu.memory_space<hbm>> -> memref<32768xi32, #tpu.memory_space<hbm>>
      %dma_start3A_61 = arith.constant 0 : i32
      %dma_start3A_62 = tpu.memref_slice %arg3[%select_n3A, %dma_start3A_61] : memref<16x32768xi32, #tpu.memory_space<hbm>> -> memref<1x32768xi32, #tpu.memory_space<hbm>>
      %dma_start3A_63 = tpu.memref_squeeze %dma_start3A_62 : memref<1x32768xi32, #tpu.memory_space<hbm>> -> memref<32768xi32, #tpu.memory_space<hbm>>
      tpu.enqueue_dma source(%dma_start3A_63 : memref<32768xi32, #tpu.memory_space<hbm>>) target(%arg5 : memref<32768xi32, #tpu.memory_space<vmem>>) target_semaphore(%run_scoped3A : memref<!tpu.dma_semaphore, #tpu.memory_space<semaphore_mem>>)
      %dma_wait3A = arith.constant 0 : i32
      %dma_wait3A_64 = tpu.memref_slice %arg3[%select_n3A, %dma_wait3A] : memref<16x32768xi32, #tpu.memory_space<hbm>> -> memref<1x32768xi32, #tpu.memory_space<hbm>>
      %dma_wait3A_65 = tpu.memref_squeeze %dma_wait3A_64 : memref<1x32768xi32, #tpu.memory_space<hbm>> -> memref<32768xi32, #tpu.memory_space<hbm>>
      %dma_wait3A_66 = arith.constant 0 : i32
      %dma_wait3A_67 = tpu.memref_slice %arg3[%select_n3A, %dma_wait3A_66] : memref<16x32768xi32, #tpu.memory_space<hbm>> -> memref<1x32768xi32, #tpu.memory_space<hbm>>
      %dma_wait3A_68 = tpu.memref_squeeze %dma_wait3A_67 : memref<1x32768xi32, #tpu.memory_space<hbm>> -> memref<32768xi32, #tpu.memory_space<hbm>>
      tpu.wait_dma2 semaphore(%run_scoped3A : memref<!tpu.dma_semaphore, #tpu.memory_space<semaphore_mem>>) src(%dma_wait3A_68 : memref<32768xi32, #tpu.memory_space<hbm>>) dst(%arg5 : memref<32768xi32, #tpu.memory_space<vmem>>)
      tpu.yield
    }) : () -> ()
    %broadcast_in_dim3A = arith.constant 0.000000e+00 : f32
    %broadcast_in_dim3A_33 = vector.broadcast %broadcast_in_dim3A : f32 to vector<16xf32>
    %broadcast_in_dim3A_34 = arith.constant 1.000000e+00 : f32
    %broadcast_in_dim3A_35 = vector.broadcast %broadcast_in_dim3A_34 : f32 to vector<16xf32>
    %scan3A = arith.constant 0 : i32
    %scan3A_36 = arith.constant 0 : i32
    %scan3A_37 = arith.constant 2048 : i32
    %scan3A_38 = arith.addi %scan3A_36, %scan3A_37 : i32
    %scan3A_39 = arith.constant 1 : i32
    scf.for %scan3A_59 = %scan3A_36 to %scan3A_38 step %scan3A_39  : i32 {
      %mul3A_60 = arith.constant 16 : i32
      %mul3A_61 = arith.muli %scan3A_59, %mul3A_60 : i32
      %swap3A = arith.index_cast %mul3A_61 : i32 to index
      %swap3A_62 = tpu.vector_load %arg7[%swap3A] {strides = array<i32>} : memref<32768xf32, #tpu.memory_space<vmem>>, vector<16xf32>,
      tpu.vector_store %arg7[%swap3A], %broadcast_in_dim3A_33 {strides = array<i32>} : memref<32768xf32, #tpu.memory_space<vmem>>, vector<16xf32>,
    }
    %scan3A_40 = arith.constant 2048 : i32
    %scan3A_41 = arith.constant 0 : i32
    %scan3A_42 = arith.constant 0 : i32
    %scan3A_43 = arith.constant 2048 : i32
    %scan3A_44 = arith.addi %scan3A_42, %scan3A_43 : i32
    %scan3A_45 = arith.constant 1 : i32
    scf.for %scan3A_59 = %scan3A_42 to %scan3A_44 step %scan3A_45  : i32 {
      %mul3A_60 = arith.constant 16 : i32
      %mul3A_61 = arith.muli %scan3A_59, %mul3A_60 : i32
      %get3A = arith.index_cast %mul3A_61 : i32 to index
      %get3A_62 = tpu.vector_load %arg5[%get3A] {strides = array<i32>} : memref<32768xi32, #tpu.memory_space<vmem>>, vector<16xi32>,
      tpu.vector_store_idx %arg7[%get3A_62], %broadcast_in_dim3A_35 {add = true} : memref<32768xf32, #tpu.memory_space<vmem>>[vector<16xi32>], vector<16xf32>,
    }
    %scan3A_46 = arith.constant 2048 : i32
    %scan3A_47 = arith.constant 0 : i32
    %scan3A_48 = arith.constant 0 : i32
    %scan3A_49 = arith.constant 2048 : i32
    %scan3A_50 = arith.addi %scan3A_48, %scan3A_49 : i32
    %scan3A_51 = arith.constant 1 : i32
    scf.for %scan3A_59 = %scan3A_48 to %scan3A_50 step %scan3A_51  : i32 {
      %mul3A_60 = arith.constant 16 : i32
      %mul3A_61 = arith.muli %scan3A_59, %mul3A_60 : i32
      %get3A = arith.index_cast %mul3A_61 : i32 to index
      %get3A_62 = tpu.vector_load %arg7[%get3A] {strides = array<i32>} : memref<32768xf32, #tpu.memory_space<vmem>>, vector<16xf32>,
      %max3A = arith.constant 1.000000e+00 : f32
      %max3A_63 = vector.broadcast %max3A : f32 to vector<16xf32>
      %max3A_64 = arith.maximumf %get3A_62, %max3A_63 : vector<16xf32>
      %div3A_65 = arith.constant 1.000000e+00 : f32
      %div3A_66 = vector.broadcast %div3A_65 : f32 to vector<16xf32>
      %div3A_67 = arith.divf %div3A_66, %max3A_64 : vector<16xf32>
      %swap3A = arith.index_cast %mul3A_61 : i32 to index
      %swap3A_68 = tpu.vector_load %arg7[%swap3A] {strides = array<i32>} : memref<32768xf32, #tpu.memory_space<vmem>>, vector<16xf32>,
      tpu.vector_store %arg7[%swap3A], %div3A_67 {strides = array<i32>} : memref<32768xf32, #tpu.memory_space<vmem>>, vector<16xf32>,
    }
    %scan3A_52 = arith.constant 2048 : i32
    %scan3A_53 = arith.constant 0 : i32
    %scan3A_54 = arith.constant 0 : i32
    %scan3A_55 = arith.constant 32 : i32
    %scan3A_56 = arith.addi %scan3A_54, %scan3A_55 : i32
    %scan3A_57 = arith.constant 1 : i32
    scf.for %scan3A_59 = %scan3A_54 to %scan3A_56 step %scan3A_57  : i32 {
      %scan3A_60 = arith.constant 0 : i32
      %scan3A_61 = arith.constant 0 : i32
      %scan3A_62 = arith.constant 2048 : i32
      %scan3A_63 = arith.addi %scan3A_61, %scan3A_62 : i32
      %scan3A_64 = arith.constant 1 : i32
      scf.for %scan3A_79 = %scan3A_61 to %scan3A_63 step %scan3A_64  : i32 {
        %mul3A_80 = arith.constant 16 : i32
        %mul3A_81 = arith.muli %scan3A_79, %mul3A_80 : i32
        %swap3A = arith.index_cast %mul3A_81 : i32 to index
        %swap3A_82 = tpu.vector_load %arg6[%swap3A] {strides = array<i32>} : memref<32768xf32, #tpu.memory_space<vmem>>, vector<16xf32>,
        tpu.vector_store %arg6[%swap3A], %broadcast_in_dim3A_33 {strides = array<i32>} : memref<32768xf32, #tpu.memory_space<vmem>>, vector<16xf32>,
      }
      %scan3A_65 = arith.constant 2048 : i32
      %scan3A_66 = arith.constant 0 : i32
      %scan3A_67 = arith.constant 0 : i32
      %scan3A_68 = arith.constant 4 : i32
      %scan3A_69 = arith.addi %scan3A_67, %scan3A_68 : i32
      %scan3A_70 = arith.constant 1 : i32
      scf.for %scan3A_79 = %scan3A_67 to %scan3A_69 step %scan3A_70  : i32 {
        %add3A_80 = arith.addi %mul3A_32, %scan3A_59 : i32
        %mul3A_81 = arith.constant 8192 : i32
        %mul3A_82 = arith.muli %scan3A_79, %mul3A_81 : i32
        "tpu.region"() ({
          %run_scoped3A = tpu.sem_alloc : memref<!tpu.dma_semaphore, #tpu.memory_space<semaphore_mem>>
          %dma_start3A = tpu.memref_slice %arg2[%select_n3A, %add3A_80, %mul3A_82] : memref<16x64x32768xf32, #tpu.memory_space<hbm>> -> memref<1x1x8192xf32, #tpu.memory_space<hbm>>
          %dma_start3A_89 = tpu.memref_squeeze %dma_start3A : memref<1x1x8192xf32, #tpu.memory_space<hbm>> -> memref<8192xf32, #tpu.memory_space<hbm>>
          %dma_start3A_90 = tpu.memref_slice %arg2[%select_n3A, %add3A_80, %mul3A_82] : memref<16x64x32768xf32, #tpu.memory_space<hbm>> -> memref<1x1x8192xf32, #tpu.memory_space<hbm>>
          %dma_start3A_91 = tpu.memref_squeeze %dma_start3A_90 : memref<1x1x8192xf32, #tpu.memory_space<hbm>> -> memref<8192xf32, #tpu.memory_space<hbm>>
          tpu.enqueue_dma source(%dma_start3A_91 : memref<8192xf32, #tpu.memory_space<hbm>>) target(%arg8 : memref<8192xf32, #tpu.memory_space<vmem>>) target_semaphore(%run_scoped3A : memref<!tpu.dma_semaphore, #tpu.memory_space<semaphore_mem>>)
          %dma_wait3A = tpu.memref_slice %arg2[%select_n3A, %add3A_80, %mul3A_82] : memref<16x64x32768xf32, #tpu.memory_space<hbm>> -> memref<1x1x8192xf32, #tpu.memory_space<hbm>>
          %dma_wait3A_92 = tpu.memref_squeeze %dma_wait3A : memref<1x1x8192xf32, #tpu.memory_space<hbm>> -> memref<8192xf32, #tpu.memory_space<hbm>>
          %dma_wait3A_93 = tpu.memref_slice %arg2[%select_n3A, %add3A_80, %mul3A_82] : memref<16x64x32768xf32, #tpu.memory_space<hbm>> -> memref<1x1x8192xf32, #tpu.memory_space<hbm>>
          %dma_wait3A_94 = tpu.memref_squeeze %dma_wait3A_93 : memref<1x1x8192xf32, #tpu.memory_space<hbm>> -> memref<8192xf32, #tpu.memory_space<hbm>>
          tpu.wait_dma2 semaphore(%run_scoped3A : memref<!tpu.dma_semaphore, #tpu.memory_space<semaphore_mem>>) src(%dma_wait3A_94 : memref<8192xf32, #tpu.memory_space<hbm>>) dst(%arg8 : memref<8192xf32, #tpu.memory_space<vmem>>)
          tpu.yield
        }) : () -> ()
        %scan3A_83 = arith.constant 0 : i32
        %scan3A_84 = arith.constant 0 : i32
        %scan3A_85 = arith.constant 512 : i32
        %scan3A_86 = arith.addi %scan3A_84, %scan3A_85 : i32
        %scan3A_87 = arith.constant 1 : i32
        scf.for %scan3A_89 = %scan3A_84 to %scan3A_86 step %scan3A_87  : i32 {
          %mul3A_90 = arith.constant 8192 : i32
          %mul3A_91 = arith.muli %scan3A_79, %mul3A_90 : i32
          %mul3A_92 = arith.constant 16 : i32
          %mul3A_93 = arith.muli %scan3A_89, %mul3A_92 : i32
          %add3A_94 = arith.addi %mul3A_91, %mul3A_93 : i32
          %get3A = arith.index_cast %add3A_94 : i32 to index
          %get3A_95 = tpu.vector_load %arg5[%get3A] {strides = array<i32>} : memref<32768xi32, #tpu.memory_space<vmem>>, vector<16xi32>,
          %mul3A_96 = arith.constant 16 : i32
          %mul3A_97 = arith.muli %scan3A_89, %mul3A_96 : i32
          %get3A_98 = arith.index_cast %mul3A_97 : i32 to index
          %get3A_99 = tpu.vector_load %arg8[%get3A_98] {strides = array<i32>} : memref<8192xf32, #tpu.memory_space<vmem>>, vector<16xf32>,
          tpu.vector_store_idx %arg6[%get3A_95], %get3A_99 {add = true} : memref<32768xf32, #tpu.memory_space<vmem>>[vector<16xi32>], vector<16xf32>,
        }
        %scan3A_88 = arith.constant 512 : i32
      }
      %scan3A_71 = arith.constant 4 : i32
      %scan3A_72 = arith.constant 0 : i32
      %scan3A_73 = arith.constant 0 : i32
      %scan3A_74 = arith.constant 2048 : i32
      %scan3A_75 = arith.addi %scan3A_73, %scan3A_74 : i32
      %scan3A_76 = arith.constant 1 : i32
      scf.for %scan3A_79 = %scan3A_73 to %scan3A_75 step %scan3A_76  : i32 {
        %mul3A_80 = arith.constant 16 : i32
        %mul3A_81 = arith.muli %scan3A_79, %mul3A_80 : i32
        %get3A = arith.index_cast %mul3A_81 : i32 to index
        %get3A_82 = tpu.vector_load %arg6[%get3A] {strides = array<i32>} : memref<32768xf32, #tpu.memory_space<vmem>>, vector<16xf32>,
        %get3A_83 = arith.index_cast %mul3A_81 : i32 to index
        %get3A_84 = tpu.vector_load %arg7[%get3A_83] {strides = array<i32>} : memref<32768xf32, #tpu.memory_space<vmem>>, vector<16xf32>,
        %mul3A_85 = arith.mulf %get3A_82, %get3A_84 : vector<16xf32>
        %swap3A = arith.index_cast %mul3A_81 : i32 to index
        %swap3A_86 = tpu.vector_load %arg6[%swap3A] {strides = array<i32>} : memref<32768xf32, #tpu.memory_space<vmem>>, vector<16xf32>,
        tpu.vector_store %arg6[%swap3A], %mul3A_85 {strides = array<i32>} : memref<32768xf32, #tpu.memory_space<vmem>>, vector<16xf32>,
      }
      %scan3A_77 = arith.constant 2048 : i32
      %add3A_78 = arith.addi %mul3A_32, %scan3A_59 : i32
      "tpu.region"() ({
        %run_scoped3A = tpu.sem_alloc : memref<!tpu.dma_semaphore, #tpu.memory_space<semaphore_mem>>
        %dma_start3A = arith.constant 0 : i32
        %dma_start3A_79 = tpu.memref_slice %arg4[%select_n3A, %add3A_78, %dma_start3A] : memref<16x64x32768xf32, #tpu.memory_space<hbm>> -> memref<1x1x32768xf32, #tpu.memory_space<hbm>>
        %dma_start3A_80 = tpu.memref_squeeze %dma_start3A_79 : memref<1x1x32768xf32, #tpu.memory_space<hbm>> -> memref<32768xf32, #tpu.memory_space<hbm>>
        %dma_start3A_81 = arith.constant 0 : i32
        %dma_start3A_82 = tpu.memref_slice %arg4[%select_n3A, %add3A_78, %dma_start3A_81] : memref<16x64x32768xf32, #tpu.memory_space<hbm>> -> memref<1x1x32768xf32, #tpu.memory_space<hbm>>
        %dma_start3A_83 = tpu.memref_squeeze %dma_start3A_82 : memref<1x1x32768xf32, #tpu.memory_space<hbm>> -> memref<32768xf32, #tpu.memory_space<hbm>>
        tpu.enqueue_dma source(%arg6 : memref<32768xf32, #tpu.memory_space<vmem>>) target(%dma_start3A_83 : memref<32768xf32, #tpu.memory_space<hbm>>) target_semaphore(%run_scoped3A : memref<!tpu.dma_semaphore, #tpu.memory_space<semaphore_mem>>)
        %dma_wait3A = arith.constant 0 : i32
        %dma_wait3A_84 = tpu.memref_slice %arg4[%select_n3A, %add3A_78, %dma_wait3A] : memref<16x64x32768xf32, #tpu.memory_space<hbm>> -> memref<1x1x32768xf32, #tpu.memory_space<hbm>>
        %dma_wait3A_85 = tpu.memref_squeeze %dma_wait3A_84 : memref<1x1x32768xf32, #tpu.memory_space<hbm>> -> memref<32768xf32, #tpu.memory_space<hbm>>
        %dma_wait3A_86 = arith.constant 0 : i32
        %dma_wait3A_87 = tpu.memref_slice %arg4[%select_n3A, %add3A_78, %dma_wait3A_86] : memref<16x64x32768xf32, #tpu.memory_space<hbm>> -> memref<1x1x32768xf32, #tpu.memory_space<hbm>>
        %dma_wait3A_88 = tpu.memref_squeeze %dma_wait3A_87 : memref<1x1x32768xf32, #tpu.memory_space<hbm>> -> memref<32768xf32, #tpu.memory_space<hbm>>
        tpu.wait_dma2 semaphore(%run_scoped3A : memref<!tpu.dma_semaphore, #tpu.memory_space<semaphore_mem>>) src(%arg6 : memref<32768xf32, #tpu.memory_space<vmem>>) dst(%dma_wait3A_88 : memref<32768xf32, #tpu.memory_space<hbm>>)
        tpu.yield
      }) : () -> ()
    }
    %scan3A_58 = arith.constant 32 : i32
    return
  }
}

module attributes {stable_mosaic.version = 14 : i64} {
  func.func @_norm_body(%arg0: i32, %arg1: memref<1x3x32768xf32, #tpu.memory_space<vmem>>, %arg2: memref<1x3x32768xf32, #tpu.memory_space<vmem>>, %arg3: memref<1x1x32768xi32, #tpu.memory_space<vmem>>) attributes {dimension_semantics = [#tpu.dimension_semantics<arbitrary>], iteration_bounds = array<i64: 16>, scalar_prefetch = 0 : i64, scratch_operands = 0 : i64, tpu.core_type = #tpu.core_type<tc>, window_params = [{transform_indices = @transform_0, window_bounds = array<i64: 1, 3, 32768>}, {transform_indices = @transform_1, window_bounds = array<i64: 1, 3, 32768>}, {transform_indices = @transform_2, window_bounds = array<i64: 1, 1, 32768>}]} {
    %get3A = arith.constant 0 : index
    %get3A_0 = arith.constant 0 : index
    %get3A_1 = arith.constant 0 : index
    %get3A_2 = vector.load %arg1[%get3A, %get3A_0, %get3A_1] : memref<1x3x32768xf32, #tpu.memory_space<vmem>>, vector<1x3x32768xf32>
    %get3A_3 = vector.shape_cast %get3A_2 : vector<1x3x32768xf32> to vector<3x32768xf32>
    %reduce_sum3A = arith.constant dense<0.000000e+00> : vector<3xf32>
    %reduce_sum3A_4 = vector.multi_reduction <add>, %get3A_3, %reduce_sum3A [1] : vector<3x32768xf32> to vector<3xf32>
    %broadcast_in_dim3A = vector.shape_cast %reduce_sum3A_4 : vector<3xf32> to vector<3x1xf32>
    %div3A = arith.constant 3.276800e+04 : f32
    %div3A_5 = vector.broadcast %div3A : f32 to vector<3x1xf32>
    %div3A_6 = arith.divf %broadcast_in_dim3A, %div3A_5 : vector<3x1xf32>
    %sub3A = vector.broadcast %div3A_6 : vector<3x1xf32> to vector<3x32768xf32>
    %sub3A_7 = arith.subf %get3A_3, %sub3A : vector<3x32768xf32>
    %mul3A = arith.mulf %sub3A_7, %sub3A_7 : vector<3x32768xf32>
    %reduce_sum3A_8 = arith.constant dense<0.000000e+00> : vector<32768xf32>
    %reduce_sum3A_9 = vector.multi_reduction <add>, %mul3A, %reduce_sum3A_8 [0] : vector<3x32768xf32> to vector<32768xf32>
    %broadcast_in_dim3A_10 = vector.shape_cast %reduce_sum3A_9 : vector<32768xf32> to vector<1x32768xf32>
    %reduce_max3A = vector.shape_cast %broadcast_in_dim3A_10 : vector<1x32768xf32> to vector<1x1x32768xf32>
    %reduce_max3A_11 = arith.constant dense<0xFF800000> : vector<1xf32>
    %reduce_max3A_12 = vector.multi_reduction <maximumf>, %reduce_max3A, %reduce_max3A_11 [1, 2] : vector<1x1x32768xf32> to vector<1xf32>
    %reduce_max3A_13 = vector.shape_cast %reduce_max3A_12 : vector<1xf32> to vector<1x1x1xf32>
    %reduce_max3A_14 = vector.extract %reduce_max3A_13[0, 0, 0] : f32 from vector<1x1x1xf32>
    %sqrt3A = math.sqrt %reduce_max3A_14 : f32
    %mul3A_15 = arith.constant 2.000000e+00 : f32
    %mul3A_16 = arith.mulf %sqrt3A, %mul3A_15 : f32
    %div3A_17 = vector.broadcast %mul3A_16 : f32 to vector<3x32768xf32>
    %div3A_18 = arith.divf %sub3A_7, %div3A_17 : vector<3x32768xf32>
    %add3A = arith.constant 5.000000e-01 : f32
    %add3A_19 = vector.broadcast %add3A : f32 to vector<3x32768xf32>
    %add3A_20 = arith.addf %div3A_18, %add3A_19 : vector<3x32768xf32>
    %mul3A_21 = arith.constant 3.200000e+01 : f32
    %mul3A_22 = vector.broadcast %mul3A_21 : f32 to vector<3x32768xf32>
    %mul3A_23 = arith.mulf %add3A_20, %mul3A_22 : vector<3x32768xf32>
    %jit3A = arith.constant 0.000000e+00 : f32
    %jit3A_24 = arith.constant 3.100000e+01 : f32
    %max3A = vector.broadcast %jit3A : f32 to vector<3x32768xf32>
    %max3A_25 = arith.maximumf %max3A, %mul3A_23 : vector<3x32768xf32>
    %min3A = vector.broadcast %jit3A_24 : f32 to vector<3x32768xf32>
    %min3A_26 = arith.minimumf %min3A, %max3A_25 : vector<3x32768xf32>
    %swap3A = arith.constant 0 : index
    %swap3A_27 = arith.constant 0 : index
    %swap3A_28 = arith.constant 0 : index
    %swap3A_29 = vector.load %arg2[%swap3A, %swap3A_27, %swap3A_28] : memref<1x3x32768xf32, #tpu.memory_space<vmem>>, vector<1x3x32768xf32>
    %swap3A_30 = vector.shape_cast %swap3A_29 : vector<1x3x32768xf32> to vector<3x32768xf32>
    %swap3A_31 = vector.shape_cast %min3A_26 : vector<3x32768xf32> to vector<1x3x32768xf32>
    tpu.vector_store %arg2[%swap3A, %swap3A_27, %swap3A_28], %swap3A_31 {strides = array<i32>} : memref<1x3x32768xf32, #tpu.memory_space<vmem>>, vector<1x3x32768xf32>,
    %round3A = math.roundeven %min3A_26 : vector<3x32768xf32>
    %convert_element_type3A = arith.fptosi %round3A : vector<3x32768xf32> to vector<3x32768xi32>
    %slice3A = vector.extract_strided_slice %convert_element_type3A {offsets = [0, 0], sizes = [1, 32768], strides = [1, 1]} : vector<3x32768xi32> to vector<1x32768xi32>
    %squeeze3A = vector.shape_cast %slice3A : vector<1x32768xi32> to vector<32768xi32>
    %mul3A_32 = arith.constant 32 : i32
    %mul3A_33 = vector.broadcast %mul3A_32 : i32 to vector<32768xi32>
    %mul3A_34 = arith.muli %squeeze3A, %mul3A_33 : vector<32768xi32>
    %slice3A_35 = vector.extract_strided_slice %convert_element_type3A {offsets = [1, 0], sizes = [1, 32768], strides = [1, 1]} : vector<3x32768xi32> to vector<1x32768xi32>
    %squeeze3A_36 = vector.shape_cast %slice3A_35 : vector<1x32768xi32> to vector<32768xi32>
    %add3A_37 = arith.addi %mul3A_34, %squeeze3A_36 : vector<32768xi32>
    %mul3A_38 = arith.constant 32 : i32
    %mul3A_39 = vector.broadcast %mul3A_38 : i32 to vector<32768xi32>
    %mul3A_40 = arith.muli %add3A_37, %mul3A_39 : vector<32768xi32>
    %slice3A_41 = vector.extract_strided_slice %convert_element_type3A {offsets = [2, 0], sizes = [1, 32768], strides = [1, 1]} : vector<3x32768xi32> to vector<1x32768xi32>
    %squeeze3A_42 = vector.shape_cast %slice3A_41 : vector<1x32768xi32> to vector<32768xi32>
    %add3A_43 = arith.addi %mul3A_40, %squeeze3A_42 : vector<32768xi32>
    %swap3A_44 = arith.constant 0 : index
    %swap3A_45 = arith.constant 0 : index
    %swap3A_46 = arith.constant 0 : index
    %swap3A_47 = vector.load %arg3[%swap3A_44, %swap3A_45, %swap3A_46] : memref<1x1x32768xi32, #tpu.memory_space<vmem>>, vector<1x1x32768xi32>
    %swap3A_48 = vector.shape_cast %swap3A_47 : vector<1x1x32768xi32> to vector<32768xi32>
    %swap3A_49 = vector.shape_cast %add3A_43 : vector<32768xi32> to vector<1x1x32768xi32>
    tpu.vector_store %arg3[%swap3A_44, %swap3A_45, %swap3A_46], %swap3A_49 {strides = array<i32>} : memref<1x1x32768xi32, #tpu.memory_space<vmem>>, vector<1x1x32768xi32>,
    return
  }
  func.func @transform_0(%arg0: i32) -> (i32, i32, i32) {
    %c0_i32 = arith.constant 0 : i32
    %c0_i32_0 = arith.constant 0 : i32
    %c0_i32_1 = arith.constant 0 : i32
    return %arg0, %c0_i32, %c0_i32_0 : i32, i32, i32
  }
  func.func @transform_1(%arg0: i32) -> (i32, i32, i32) {
    %c0_i32 = arith.constant 0 : i32
    %c0_i32_0 = arith.constant 0 : i32
    %c0_i32_1 = arith.constant 0 : i32
    return %arg0, %c0_i32, %c0_i32_0 : i32, i32, i32
  }
  func.func @transform_2(%arg0: i32) -> (i32, i32, i32) {
    %c0_i32 = arith.constant 0 : i32
    %c0_i32_0 = arith.constant 0 : i32
    %c0_i32_1 = arith.constant 0 : i32
    return %arg0, %c0_i32, %c0_i32_0 : i32, i32, i32
  }
}

</mosaic_0001>

<sc_bundles>
// kernel: kernel.4.cloned.1.call-start
scs
__scs_entry_jumppad:
0x0: {  	(pc) =	sbr.rel $0x88, $3  }
0x1: {  	(tag) =	ssettag $0x0;
	lr =	simm.s32 $0x1  }
0x2: {  	[smem:$0x3F9F] =	sst lr;
	_ =	strace $0xD0000000  }
0x3: {  	_ = 	snop  }
0x4: {  	_ = 	snop  }
0x5: {  	_ = 	snop  }
0x6: {  	_ = 	snop  }
0x7: {  	_ = 	snop  }
__scs_overlays_trampoline_lowered:
0x8: {  	[smem:$0x3FAE] =	sst s0  }
0x9: {  	[smem:$0x3FAF] =	sst s1  }
0xa: {  	[smem:$0x3FB0] =	sst s2  }
0xb: {  	[smem:$0x3FB1] =	sst s3  }
0xc: {  	[smem:$0x3FB2] =	sst s4  }
0xd: {  	[smem:$0x3FB3] =	sst s5  }
0xe: {  	[smem:$0x3FB4] =	sst s6  }
0xf: {  	[smem:$0x3FB5] =	sst s7  }
0x10: {  	[smem:$0x3FB6] =	sst s8  }
0x11: {  	[smem:$0x3FB7] =	sst s9;
	s0 =	simm.s32 @!p0 $0x0  }
0x12: {  	s1 =	sld [smem:$0x3F9D];
	s0 =	simm.s32 @p0 $0x1  }
0x13: {  	[smem:$0x3FB8] =	sst s0;
	s0 =	simm.s32 @!p1 $0x0  }
0x14: {  	s2 =	sld [smem:$0x3F9C];
	s0 =	simm.s32 @p1 $0x1  }
0x15: {  	[smem:$0x3FB9] =	sst s0;
	s0 =	simm.s32 @!p2 $0x0  }
0x16: {  	s3 =	sld [smem:$0x3FDB];
	s0 =	simm.s32 @p2 $0x1  }
0x17: {  	s4 =	simm.s32 $0x1BF5;
	[smem:$0x3FBB] =	sst s0  }
0x18: {  	s0 =	sld [smem:$0x3F9E];
	_ =	swait.ge [sflag:s4], $0x0  }
0x19: {  	s7 =	sld [smem:$0x3F9F]  }
0x1a: {  	s8 =	sadd.s32 $0xFFFFE003, lr  }
0x1b: {  	s9 =	sadd.s32 $0xFFFFFEF7, lr;
	s5 =	simm.s32 $0xFFFFFFFF;
	p2 =	slt.u32 s8, $0xFFFFF086  }
0x1c: {  	p1 =	slt.u32 s9, $0xF7A;
	s5 =	simm.s32 @!p2 $0x0  }
0x1d: {  	s5 =	simm.s32 @p1 $0x1;
	p0 =	seq.s32 s7, s2  }
0x1e: {  	s7 =	smul.u32 @!p0 $0xF7A, s2;
	p2 =	seq.s32 @!p0 s5, $0x0  }
0x1f: {  	s9 =	smul.u32 $0xF7A, s1;
	s8 =	simm.s32 @!p0 $0x1BF5;
	p2 =	por !p2, p0  }
0x20: {  	[sflag:s8] =	ssyncset.s32 @!p0 $0xFFFFF086;
	s6 =	sadd.s32 @!p0 s3, s7;
	s7 =	simm.s32 @!p0 $0x108  }
0x21: {  	s3 =	sadd.s32 s3, s9;
	s6 =	sadd.s32 @!p0 $0x88, s6;
	s7 =	simm.s32 @p2 $0x1082  }
0x22: {  	[simem:s7], [sflag:s8] =	dma.local @!p0 [hbm:s6], $0xF7A  }
0x23: {  	s9 =	sor.u32 $0xD0000000, s2;
	s6 =	simm.s32 $0x108;
	_ =	swait.ge @!p0 [sflag:s8], $0x0  }
0x24: {  	s3 =	sadd.s32 $0x88, s3;
	s6 =	simm.s32 @!p1 $0x1082;
	[sflag:s4] =	ssyncset.s32 $0xFFFFF086  }
0x25: {  	[simem:s6], [sflag:s4] =	dma.local [hbm:s3], $0xF7A  }
0x26: {  	[smem:$0x3F9F] =	sst s1;
	(tag) =	ssettag s2;
	_ =	strace s9  }
0x27: {  	s1 =	sld [smem:$0x3FAF]  }
0x28: {  	s2 =	sld [smem:$0x3FB0]  }
0x29: {  	s4 =	sld [smem:$0x3FB2]  }
0x2a: {  	p0 =	seq.s32 s5, $0x0;
	s5 =	sld [smem:$0x3FB3]  }
0x2b: {  	s6 =	sld [smem:$0x3FB4]  }
0x2c: {  	s7 =	sld [smem:$0x3FB5]  }
0x2d: {  	s3 =	simm.s32 $0x108;
	s8 =	sld [smem:$0x3FB6]  }
0x2e: {  	s3 =	simm.s32 @!p0 $0x1082;
	s9 =	sld [smem:$0x3FB7]  }
0x2f: {  	lr =	sadd.s32 s0, s3;
	s0 =	sld [smem:$0x3FAE]  }
0x30: {  	s3 =	sld [smem:$0x3FB1]  }
0x31: {  	[smem:$0x3FBA] =	sst s10  }
0x32: {  	s10 =	sld [smem:$0x3FB8];
	_ =	sdelay $0x3  }
0x33: {  	p0 =	seq.s32 s10, $0x1;
	s10 =	sld [smem:$0x3FBA];
	_ =	sdelay $0x3  }
0x34: {  	[smem:$0x3FBA] =	sst s10  }
0x35: {  	s10 =	sld [smem:$0x3FB9];
	_ =	sdelay $0x3  }
0x36: {  	p1 =	seq.s32 s10, $0x1;
	s10 =	sld [smem:$0x3FBA];
	_ =	sdelay $0x3  }
0x37: {  	[smem:$0x3FBA] =	sst s10  }
0x38: {  	s10 =	sld [smem:$0x3FBB]  }
0x39: {  	_ = 	snop;
	(pc) =	sbr.ind lr, $3  }
0x3a: {  	_ = 	snop  }
0x3b: {  	_ = 	snop  }
0x3c: {  	p2 =	seq.s32 s10, $0x1;
	s10 =	sld [smem:$0x3FBA]  }
0x3d: {  	_ =	shalt  }
0x3e: {  	_ =	shalt  }
0x3f: {  	_ =	shalt  }
0x40: {  	_ =	shalt  }
0x41: {  	_ =	shalt  }
0x42: {  	_ =	shalt  }
0x43: {  	_ =	shalt  }
0x44: {  	_ =	shalt  }
0x45: {  	_ =	shalt  }
0x46: {  	_ =	shalt  }
0x47: {  	_ =	shalt  }
0x48: {  	_ =	shalt  }
0x49: {  	_ =	shalt  }
0x4a: {  	_ =	shalt  }
0x4b: {  	_ =	shalt  }
0x4c: {  	_ =	shalt  }
0x4d: {  	_ =	shalt  }
0x4e: {  	_ =	shalt  }
0x4f: {  	_ =	shalt  }
0x50: {  	_ =	shalt  }
0x51: {  	_ =	shalt  }
0x52: {  	_ =	shalt  }
0x53: {  	_ =	shalt  }
0x54: {  	_ =	shalt  }
0x55: {  	_ =	shalt  }
0x56: {  	_ =	shalt  }
0x57: {  	_ =	shalt  }
0x58: {  	_ =	shalt  }
0x59: {  	_ =	shalt  }
0x5a: {  	_ =	shalt  }
0x5b: {  	_ =	shalt  }
0x5c: {  	_ =	shalt  }
0x5d: {  	_ =	shalt  }
0x5e: {  	_ =	shalt  }
0x5f: {  	_ =	shalt  }
0x60: {  	_ =	shalt  }
0x61: {  	_ =	shalt  }
0x62: {  	_ =	shalt  }
0x63: {  	_ =	shalt  }
0x64: {  	_ =	shalt  }
0x65: {  	_ =	shalt  }
0x66: {  	_ =	shalt  }
0x67: {  	_ =	shalt  }
0x68: {  	_ =	shalt  }
0x69: {  	_ =	shalt  }
0x6a: {  	_ =	shalt  }
0x6b: {  	_ =	shalt  }
0x6c: {  	_ =	shalt  }
0x6d: {  	_ =	shalt  }
0x6e: {  	_ =	shalt  }
0x6f: {  	_ =	shalt  }
0x70: {  	_ =	shalt  }
0x71: {  	_ =	shalt  }
0x72: {  	_ =	shalt  }
0x73: {  	_ =	shalt  }
0x74: {  	_ =	shalt  }
0x75: {  	_ =	shalt  }
0x76: {  	_ =	shalt  }
0x77: {  	_ =	shalt  }
0x78: {  	_ =	shalt  }
0x79: {  	_ =	shalt  }
0x7a: {  	_ =	shalt  }
0x7b: {  	_ =	shalt  }
0x7c: {  	_ =	shalt  }
0x7d: {  	_ =	shalt  }
0x7e: {  	_ =	shalt  }
0x7f: {  	_ =	shalt  }
0x80: {  	_ =	shalt  }
0x81: {  	_ =	shalt  }
0x82: {  	_ =	shalt  }
0x83: {  	_ =	shalt  }
0x84: {  	_ =	shalt  }
0x85: {  	_ =	shalt  }
0x86: {  	_ =	shalt  }
0x87: {  	_ =	shalt  }
.Lfunc_end0:
.L_simem_size_0:
called_computation_lowered:
.L_overlay_start_0:
0x88: {  	s2 =	sld [smem:$0x3FD9]  }
0x89: {  	s3 =	sld [smem:$0x3FFE];
	_ =	sdelay $0x1  }
0x8a: {  	s1 =	srdreg.scid  }
0x8b: {  	s0 =	sand.u32 $0x1, s1  }
0x8c: {  	s17 =	sshll.u32 s0, $0xA;
	s2 =	sadd.s32 s3, s2  }
0x8d: {  	s2 =	sadd.s32 s2, s17  }
0x8e: {  	[smem:$0x3FC6] =	sst s2  }
0x8f: {  	_ = 	snop  }
0x90: {  	s2 =	sld [smem:$0x3FC9];
	(tm) =	ssettm $0x1  }
0x91: {  	s18 =	sld [smem:$0x3FFB];
	_ =	sdelay $0x3  }
0x92: {  	_ =	strace s18  }
0x93: {  	s3 =	sld [smem:$0x3FFC];
	_ =	sdelay $0x3  }
0x94: {  	_ =	strace s3  }
0x95: {  	s3 =	sld [smem:$0x3FFD];
	_ =	sdelay $0x3  }
0x96: {  	_ =	strace s3  }
0x97: {  	_ =	strace $0x8FFFFFFF  }
0x98: {  	s19 =	sld [smem:$0x3FDB];
	_ =	sdelay $0x1  }
0x99: {  	s4 =	simm.s32 $_scs_section_size  }
0x9a: {  	s5 =	simm.s32 $_size__tile_overlayer_lowered;
	s6 =	simm.s32 $_tile_overlayer_lowered  }
0x9b: {  	s22 =	simm.s32 $0x1BFF;
	s21 =	sshll.u32 s6, $0x1;
	s3 =	sadd.s32 s4, s19  }
0x9c: {  	s7 =	simm.s32 $0x0;
	s20 =	sshll.u32 s5, $0x1;
	s5 =	sadd.s32 s21, s3  }
0x9d: {  	[timem:s7], [sflag:s22] =	dma.local [hbm:s5], s20  }
0x9e: {  	_ =	swait.ge [sflag:s22], s20  }
0x9f: {  	s4 =	ssub.s32 $0x0, s20;
	[sflag:s22] =	ssyncset.done $0x0  }
0xa0: {  	[sflag:s22] =	ssyncadd.s32 s4;
	_ =	sdelay $0x1  }
0xa1: {  	s23 =	simm.s32 $0x1B8B  }
0xa2: {  	_ =	swait.ge [sflag:s23], $0x1  }
0xa3: {  	[sflag:s23] =	ssyncset.done $0x0  }
0xa4: {  	s25 =	simm.s32 $0x1B8E;
	s24 =	sld [smem:$0x3FFE];
	[sflag:s23] =	ssyncadd.s32 $0xFFFFFFFF  }
0xa5: {  	s26 =	simm.s32 $execute0_lowered;
	[smem:$0x3FD2] =	sst s25  }
0xa6: {  	s5 =	sshll.u32 s26, $0x1;
	_ =	strace $0x80000046;
	[dreg:$0x1] =	wrdreg $0xFFFFFFFF  }
0xa7: {  	s28 =	simm.s32 $_size_execute0_lowered;
	s3 =	sadd.s32 s3, s5;
	[dreg:$0x0] =	wrdreg $0x0  }
0xa8: {  	s5 =	sshll.u32 s28, $0x1;
	[dreg:$0x2] =	wrdreg s3  }
0xa9: {  	[dreg:$0x3] =	wrdreg s5  }
0xaa: {  	[dreg:$0x4] =	wrdreg $0xC0  }
0xab: {  	_ =	task [dreg:s7], $0x5FFFF  }
0xac: {  	[dreg:$0x1] =	wrdreg $0xFFFFFFFF  }
0xad: {  	[dreg:$0x0] =	wrdreg $0x60  }
0xae: {  	[dreg:$0x2] =	wrdreg s2  }
0xaf: {  	[dreg:$0x3] =	wrdreg s24  }
0xb0: {  	[dreg:$0x4] =	wrdreg $0x9  }
0xb1: {  	_ =	task.clear_ibuf [dreg:s7], $0x5FFFF;
	_ =	strace $0x90000046  }
0xb2: {  	s29 =	simm.s32 $0x9;
	_ =	strace $0x80000048  }
0xb3: {  	_ =	swait.ge [sflag:s29], $0x1  }
0xb4: {  	[sflag:s29] =	ssyncadd.s32 $0xFFFFFFFF  }
0xb5: {  	_ =	strace $0x90000048  }
0xb6: {  	_ =	sfence  }
0xb7: {  	s30 =	sld [smem:$0x0];
	_ =	sdelay $0x2  }
0xb8: {  	s31 =	sshll.u32 s1, $0xD;
	s1 =	sshrl.u32 s1, $0x2  }
0xb9: {  	s3 =	sand.u32 $0x4000, s31;
	s1 =	sadd.s32 s1, s30  }
0xba: {  	s0 =	sor.u32 s3, s0;
	s1 =	sshll.u32 s1, $0x11  }
0xbb: {  	s0 =	sor.u32 s1, s0  }
0xbc: {  	s0 =	sadd.s32 $0x8F2B, s0  }
0xbd: {  	[sflag:s0] =	ssyncadd.remote.s32 $0x1  }
0xbe: {  	_ =	sfence.sel $0xFFFF  }
0xbf: {  	[dreg:$0x0] =	wrdreg $0xFFFFFFFF;
	(pc) =	sbr.abs _section_cstart, $3  }
0xc0: {  	[dreg:$0x1] =	wrdreg $0xFFFFFFFF  }
0xc1: {  	_ =	task.clear_ibuf [dreg:s7], $0x2FFFF;
	_ =	strace $0x9FFFFFFF  }
0xc2: {  	(tm) =	ssettm $0x7FFFFFFF  }
0xc3: {  	_ =	shalt  }
tec
execute0_lowered:
.L_overlay_start_1:
0x0: {  	(tag) =	ssettag $0x1  }
0x1: {  	s1 =	srdreg.scid  }
0x2: {  	s0 =	stileid.u32;
	s9 =	sand.u32 $0x1, s1  }
0x3: {  	s2 =	rddreg [dreg:$0x0];
	s1 =	sor.u32 s9, s0  }
0x4: {  	s3 =	simm.s32 $0x1;
	p1 =	seq.s32 s9, $0x1;
	p0 =	seq.s32 s1, $0x0  }
0x5: {  	s5 =	rddreg [dreg:$0x1];
	s11 =	simm.s32 $0x400;
	p0 =	por !p0, !p1  }
0x6: {  	s12 =	simm.s32 $0x10000;
	s13 =	simm.s32 $0x8000;
	p0 =	por !p0, !p0  }
0x7: {  	s14 =	simm.s32 $0x0;
	s8 =	ssub.s32 $0x2, s9;
	s3 =	simm.s32 @!p0 $0x0  }
0x8: {  	s9 =	sshll.u32 s9, $0x14;
	s1 =	rddreg [dreg:$0x2];
	s7 =	ssub.s32 s0, s3  }
0x9: {  	s10 =	sshrl.u32 s8, $0x1;
	s4 =	sshll.u32 s7, $0xF;
	s6 =	sshll.u32 s7, $0x7  }
0xa: {  	s8 =	ssub.s32 s8, s10;
	s4 =	sand.u32 $0xFFFC0000, s4;
	s6 =	sand.u32 $0x380, s6  }
0xb: {  	s10 =	simm.s32 $0x80;
	s3 =	simm.s32 $0x0;
	s6 =	sor.u32 s6, s4  }
0xc: {  	s8 =	smax.u32 s8, $0x1;
	[smem:$0x7FF] =	sst s3;
	s6 =	sshrl.u32 s6, $0x3  }
0xd: {  	s7 =	sshll.u32 s7, $0x15;
	_ =	strace $0x80000047;
	s6 =	sadd.s32 s6, s5  }
0xe: {  	v0 =	vimm.f32 $0.0e+00;
	v1 =	vimm.f32 $1.000000000e+00;
	s4 =	simm.s32 $0x1;
	s5 =	sadd.s32 $0x10800, s5;
	s6 =	sadd.s32 $0x800, s6  }
.LBB2_1:
0xf: {  	[tilespmem:s3], [sflag:$0x1] =	stream.strided.gather [hbm4b:s6+s10], $0x8000, s11, s10, $0x38;
	[tilespmem:$0x1A000] =	vst v63  }
0x10: {  	_ =	swait.ge [sflag:s4], $0x8000  }
0x11: {  	[sflag:s4] =	ssyncset.done $0x0  }
0x12: {  	s15 =	simm.s32 $0x40;
	s16 =	simm.s32 $0x0;
	[sflag:s4] =	ssyncadd.s32 $0xFFFF8000  }
.LBB2_2:
0x13: {  	p0 =	sne.s32 s15, $0x1FFC0;
	[tilespmem:s16+$0x10000] =	vst v0;
	s16 =	smov.u32 s15;
	s15 =	sadd.s32 $0x40, s15  }
.Ltmp0:
0x14: {  	(pc) =	sbr.rel @p0 .LBB2_2-.Ltmp0, $2  }
0x15: {  	_ =	sdelay $0x2  }
0x16: {  	s16 =	sshra.s32 s16, $0x2  }
0x17: {  	[tilespmem:s16+$0x10000] =	vst v0;
	s16 =	simm.s32 $0x0;
	s15 =	simm.s32 $0x40  }
.LBB2_4:
0x18: {  	p0 =	sne.s32 s15, $0x1FFC0;
	v2 =	vld [tilespmem:s16+$0x0];
	_ =	sdelay $0x3  }
.Ltmp1:
0x19: {  	(pc) =	sbr.rel @p0 .LBB2_4-.Ltmp1, $2  }
0x1a: {  	_ =	sdelay $0x2  }
0x1b: {  	s16 =	sshra.s32 s15, $0x2;
	s15 =	sadd.s32 $0x40, s15;
	[tilespmem:v2+s12+$0x0] =	vst.idx.add.f32.msk $0xffff, v1  }
0x1c: {  	v2 =	vld [tilespmem:s16+$0x0];
	_ =	sdelay $0x7  }
0x1d: {  	s15 =	simm.s32 $0x0;
	s16 =	simm.s32 $0x40;
	[tilespmem:v2+s12+$0x0] =	vst.idx.add.f32.msk $0xffff, v1  }
.LBB2_6:
0x1e: {  	p0 =	sne.s32 s16, $0x1FFC0;
	v2 =	vld [tilespmem:s15+$0x10000];
	_ =	sdelay $0x4  }
0x1f: {  	v2 =	vmax.f32 v2, $1.000000000e+00  }
0x20: {  	(erf) = vrcp.f32 v2;
	_ =	sdelay $0x5  }
.Ltmp2:
0x21: {  	(pc) =	sbr.rel @p0 .LBB2_6-.Ltmp2, $3  }
0x22: {  	_ =	sdelay $0x1  }
0x23: {  	v2 =	vpop (erf)  }
0x24: {  	[tilespmem:s15+$0x10000] =	vst v2;
	s15 =	sshra.s32 s16, $0x2;
	s16 =	sadd.s32 $0x40, s16  }
0x25: {  	v2 =	vld [tilespmem:s15+$0x10000];
	_ =	sdelay $0x4  }
0x26: {  	v2 =	vmax.f32 v2, $1.000000000e+00  }
0x27: {  	(erf) = vrcp.f32 v2;
	_ =	sdelay $0x8  }
0x28: {  	v2 =	vpop (erf)  }
0x29: {  	[tilespmem:s15+$0x10000] =	vst v2;
	s15 =	simm.s32 $0x0  }
.LBB2_8:
0x2a: {  	s16 =	simm.s32 $0x40;
	s17 =	simm.s32 $0x0  }
.LBB2_9:
0x2b: {  	p0 =	seq.s32 s16, $0x1FFC0;
	[tilespmem:s17+$0x8000] =	vst v0;
	s17 =	smov.u32 s16;
	s16 =	sadd.s32 $0x40, s16  }
.Ltmp3:
0x2c: {  	(pc) =	sbr.rel @!p0 .LBB2_9-.Ltmp3, $2  }
0x2d: {  	_ =	sdelay $0x2  }
0x2e: {  	s17 =	sshra.s32 s17, $0x2  }
0x2f: {  	s16 =	sshll.u32 s15, $0xF  }
0x30: {  	s16 =	sadd.s32 s16, s9  }
0x31: {  	s29 =	sshll.u32 s15, $0x7;
	s16 =	sand.u32 $0x1C0000, s16  }
0x32: {  	[tilespmem:s17+$0x8000] =	vst v0;
	s17 =	sand.u32 $0x380, s29;
	s16 =	sor.u32 s7, s16  }
0x33: {  	s16 =	sor.u32 s17, s16  }
0x34: {  	s16 =	sshrl.u32 s16, $0x3  }
0x35: {  	s17 =	simm.s32 $0x18000;
	s18 =	sadd.s32 s2, s16  }
0x36: {  	[tilespmem:s17], [sflag:$0x1] =	stream.strided.gather [hbm4b:s18+s10], $0x2000, s11, s10, $0x38;
	[tilespmem:$0x1A000] =	vst v63  }
0x37: {  	_ =	swait.ge [sflag:s4], $0x2000  }
0x38: {  	s30 =	simm.s32 $0x0;
	[sflag:s4] =	ssyncset.done $0x0  }
0x39: {  	s18 =	sand.u32 $0x1FF0, s30;
	[sflag:s4] =	ssyncadd.s32 $0xFFFFE000  }
0x3a: {  	v2 =	vld [tilespmem:s18+$0x0];
	_ =	sdelay $0x2  }
0x3b: {  	v3 =	vld [tilespmem:s17+$0x0];
	_ =	sdelay $0x3  }
0x3c: {  	s31 =	simm.s32 $0x10  }
0x3d: {  	s19 =	sand.u32 $0x1FF0, s31;
	s18 =	simm.s32 $0x20;
	[tilespmem:v2+s13+$0x0] =	vst.idx.add.f32.msk $0xffff, v3  }
.LBB2_11:
0x3e: {  	p0 =	sne.s32 s18, $0x1FF0;
	v2 =	vld [tilespmem:s19+$0x0];
	_ =	sdelay $0x1  }
0x3f: {  	s17 =	sadd.s32 $0x10, s17  }
0x40: {  	v3 =	vld [tilespmem:s17+$0x0]  }
.Ltmp4:
0x41: {  	(pc) =	sbr.rel @p0 .LBB2_11-.Ltmp4, $2  }
0x42: {  	_ =	sdelay $0x2  }
0x43: {  	s19 =	sand.u32 $0x1FF0, s18;
	s18 =	sadd.s32 $0x10, s18;
	[tilespmem:v2+s13+$0x0] =	vst.idx.add.f32.msk $0xffff, v3  }
0x44: {  	v2 =	vld [tilespmem:s19+$0x0];
	_ =	sdelay $0x1  }
0x45: {  	s17 =	sadd.s32 $0x10, s17  }
0x46: {  	v3 =	vld [tilespmem:s17+$0x0];
	_ =	sdelay $0x3  }
0x47: {  	s17 =	sadd.s32 s16, s2  }
0x48: {  	s18 =	simm.s32 $0x18000;
	s29 =	sadd.s32 $0x2000, s17;
	[tilespmem:v2+s13+$0x0] =	vst.idx.add.f32.msk $0xffff, v3  }
0x49: {  	[tilespmem:s18], [sflag:$0x1] =	stream.strided.gather [hbm4b:s29+s10], $0x2000, s11, s10, $0x38;
	[tilespmem:$0x1A000] =	vst v63  }
0x4a: {  	_ =	swait.ge [sflag:s4], $0x2000  }
0x4b: {  	s30 =	simm.s32 $0x0;
	[sflag:s4] =	ssyncset.done $0x0  }
0x4c: {  	s19 =	sand.u32 $0x1FF0, s30;
	[sflag:s4] =	ssyncadd.s32 $0xFFFFE000  }
0x4d: {  	v2 =	vld [tilespmem:s19+$0x2000];
	_ =	sdelay $0x2  }
0x4e: {  	v3 =	vld [tilespmem:s18+$0x0];
	_ =	sdelay $0x3  }
0x4f: {  	s31 =	simm.s32 $0x10  }
0x50: {  	s20 =	sand.u32 $0x1FF0, s31;
	s19 =	simm.s32 $0x20;
	[tilespmem:v2+s13+$0x0] =	vst.idx.add.f32.msk $0xffff, v3  }
.LBB2_13:
0x51: {  	p0 =	sne.s32 s19, $0x1FF0;
	v2 =	vld [tilespmem:s20+$0x2000];
	_ =	sdelay $0x1  }
0x52: {  	s18 =	sadd.s32 $0x10, s18  }
0x53: {  	v3 =	vld [tilespmem:s18+$0x0]  }
.Ltmp5:
0x54: {  	(pc) =	sbr.rel @p0 .LBB2_13-.Ltmp5, $2  }
0x55: {  	_ =	sdelay $0x2  }
0x56: {  	s20 =	sand.u32 $0x1FF0, s19;
	s19 =	sadd.s32 $0x10, s19;
	[tilespmem:v2+s13+$0x0] =	vst.idx.add.f32.msk $0xffff, v3  }
0x57: {  	v2 =	vld [tilespmem:s20+$0x2000];
	_ =	sdelay $0x1  }
0x58: {  	s18 =	sadd.s32 $0x10, s18  }
0x59: {  	v3 =	vld [tilespmem:s18+$0x0];
	_ =	sdelay $0x4  }
0x5a: {  	s19 =	sadd.s32 $0x4000, s17;
	s18 =	simm.s32 $0x18000;
	[tilespmem:v2+s13+$0x0] =	vst.idx.add.f32.msk $0xffff, v3  }
0x5b: {  	[tilespmem:s18], [sflag:$0x1] =	stream.strided.gather [hbm4b:s19+s10], $0x2000, s11, s10, $0x38;
	[tilespmem:$0x1A000] =	vst v63  }
0x5c: {  	_ =	swait.ge [sflag:s4], $0x2000  }
0x5d: {  	s30 =	simm.s32 $0x0;
	[sflag:s4] =	ssyncset.done $0x0  }
0x5e: {  	s19 =	sand.u32 $0x1FF0, s30;
	[sflag:s4] =	ssyncadd.s32 $0xFFFFE000  }
0x5f: {  	v2 =	vld [tilespmem:s19+$0x4000];
	_ =	sdelay $0x2  }
0x60: {  	v3 =	vld [tilespmem:s18+$0x0];
	_ =	sdelay $0x3  }
0x61: {  	s31 =	simm.s32 $0x10  }
0x62: {  	s20 =	sand.u32 $0x1FF0, s31;
	s19 =	simm.s32 $0x20;
	[tilespmem:v2+s13+$0x0] =	vst.idx.add.f32.msk $0xffff, v3  }
.LBB2_15:
0x63: {  	p0 =	sne.s32 s19, $0x1FF0;
	v2 =	vld [tilespmem:s20+$0x4000];
	_ =	sdelay $0x1  }
0x64: {  	s18 =	sadd.s32 $0x10, s18  }
0x65: {  	v3 =	vld [tilespmem:s18+$0x0]  }
.Ltmp6:
0x66: {  	(pc) =	sbr.rel @p0 .LBB2_15-.Ltmp6, $2  }
0x67: {  	_ =	sdelay $0x2  }
0x68: {  	s20 =	sand.u32 $0x1FF0, s19;
	s19 =	sadd.s32 $0x10, s19;
	[tilespmem:v2+s13+$0x0] =	vst.idx.add.f32.msk $0xffff, v3  }
0x69: {  	v2 =	vld [tilespmem:s20+$0x4000];
	_ =	sdelay $0x1  }
0x6a: {  	s18 =	sadd.s32 $0x10, s18  }
0x6b: {  	v3 =	vld [tilespmem:s18+$0x0];
	_ =	sdelay $0x4  }
0x6c: {  	s29 =	sadd.s32 $0x6000, s17;
	s17 =	simm.s32 $0x18000;
	[tilespmem:v2+s13+$0x0] =	vst.idx.add.f32.msk $0xffff, v3  }
0x6d: {  	[tilespmem:s17], [sflag:$0x1] =	stream.strided.gather [hbm4b:s29+s10], $0x2000, s11, s10, $0x38;
	[tilespmem:$0x1A000] =	vst v63  }
0x6e: {  	_ =	swait.ge [sflag:s4], $0x2000  }
0x6f: {  	s30 =	simm.s32 $0x0;
	[sflag:s4] =	ssyncset.done $0x0  }
0x70: {  	s18 =	sand.u32 $0x1FF0, s30;
	[sflag:s4] =	ssyncadd.s32 $0xFFFFE000  }
0x71: {  	v2 =	vld [tilespmem:s18+$0x6000];
	_ =	sdelay $0x2  }
0x72: {  	v3 =	vld [tilespmem:s17+$0x0];
	_ =	sdelay $0x3  }
0x73: {  	s31 =	simm.s32 $0x10  }
0x74: {  	s19 =	sand.u32 $0x1FF0, s31;
	s18 =	simm.s32 $0x20;
	[tilespmem:v2+s13+$0x0] =	vst.idx.add.f32.msk $0xffff, v3  }
.LBB2_17:
0x75: {  	p0 =	sne.s32 s18, $0x1FF0;
	v2 =	vld [tilespmem:s19+$0x6000];
	_ =	sdelay $0x1  }
0x76: {  	s17 =	sadd.s32 $0x10, s17  }
0x77: {  	v3 =	vld [tilespmem:s17+$0x0]  }
.Ltmp7:
0x78: {  	(pc) =	sbr.rel @p0 .LBB2_17-.Ltmp7, $2  }
0x79: {  	_ =	sdelay $0x2  }
0x7a: {  	s19 =	sand.u32 $0x1FF0, s18;
	s18 =	sadd.s32 $0x10, s18;
	[tilespmem:v2+s13+$0x0] =	vst.idx.add.f32.msk $0xffff, v3  }
0x7b: {  	v2 =	vld [tilespmem:s19+$0x6000];
	_ =	sdelay $0x1  }
0x7c: {  	s17 =	sadd.s32 $0x10, s17  }
0x7d: {  	v3 =	vld [tilespmem:s17+$0x0];
	_ =	sdelay $0x4  }
0x7e: {  	s17 =	simm.s32 $0x0;
	[tilespmem:v2+s13+$0x0] =	vst.idx.add.f32.msk $0xffff, v3  }
0x7f: {  	s18 =	simm.s32 $0x40;
	v2 =	vld [tilespmem:s17+$0x10000]  }
.LBB2_19:
0x80: {  	p0 =	sne.s32 s18, $0x1FFC0;
	v3 =	vld [tilespmem:s17+$0x8000];
	_ =	sdelay $0x2  }
.Ltmp8:
0x81: {  	(pc) =	sbr.rel @p0 .LBB2_19-.Ltmp8, $4  }
0x82: {  	_ = 	snop  }
0x83: {  	v3 =	vmul.f32 v2, v3  }
0x84: {  	s19 =	sshra.s32 s18, $0x2  }
0x85: {  	s18 =	sadd.s32 $0x40, s18;
	v2 =	vld [tilespmem:s19+$0x10000];
	[tilespmem:s17+$0x8000] =	vst v3;
	s17 =	smov.u32 s19  }
0x86: {  	v3 =	vld [tilespmem:s17+$0x8000];
	_ =	sdelay $0x4  }
0x87: {  	s15 =	sadd.s32 $0x1, s15;
	v2 =	vmul.f32 v2, v3  }
0x88: {  	p0 =	sne.s32 s15, $0x20  }
.Ltmp9:
0x89: {  	s16 =	sadd.s32 s5, s16;
	[tilespmem:s17+$0x8000] =	vst v2;
	(pc) =	sbr.rel @p0 .LBB2_8-.Ltmp9, $4  }
0x8a: {  	[hbm4b:s16+s10] =	stream.strided.scatter [tilespmem:s13], [sflag:$0x1], $0x8000, s11, s10, $0x38;
	[tilespmem:$0x1A000] =	vst v63  }
0x8b: {  	_ =	swait.ge [sflag:s4], $0x8000  }
0x8c: {  	[sflag:s4] =	ssyncset.done $0x0  }
0x8d: {  	[sflag:s4] =	ssyncadd.s32 $0xFFFF8000  }
0x8e: {  	s14 =	sadd.s32 $0x1, s14  }
0x8f: {  	p0 =	sne.s32 s14, s8  }
.Ltmp10:
0x90: {  	_ = 	snop;
	(pc) =	sbr.rel @p0 .LBB2_1-.Ltmp10, $1  }
0x91: {  	_ =	sdelay $0x3  }
0x92: {  	_ =	sfence.sel $0x180000  }
0x93: {  	[bflag:$0x0] =	sbarrier.arrive $0xFFFF  }
0x94: {  	p0 =	sne.s32 s0, $0x0;
	_ =	strace $0x90000047  }
0x95: {  	s0 =	sadd.s32 @!p0 $0x100000, s1;
	[bflag:$0x2] =	sbarrier.arrive $0xFFFF  }
0x96: {  	[sflag:s0] =	ssyncadd.tile.s32 @!p0 $0x1;
	_ =	shalt  }
.Lfunc_end2:
_tile_overlayer_lowered:
.L_overlay_start_2:
0x97: {  	(tag) =	ssettag $0x2  }
0x98: {  	s0 =	rddreg [dreg:$0x0];
	s2 =	stileid.u32  }
0x99: {  	s1 =	rddreg [dreg:$0x1];
	p0 =	sne.s32 s2, $0x0  }
0x9a: {  	s3 =	rddreg [dreg:$0x2];
	[bflag:$0x3] =	sbarrier.arrive $0xFFFF;
	s2 =	simm.s32 @!p0 $0x1C01  }
0x9b: {  	[timem:s3], [sflag:s2] =	dma.local @!p0 [hbm:s0], s1  }
0x9c: {  	s0 =	simm.s32 @!p0 $0x1  }
0x9d: {  	_ =	swait.ge @!p0 [sflag:s0], s1  }
0x9e: {  	s1 =	ssub.s32 @!p0 $0x0, s1;
	[sflag:s0] =	ssyncset.done @!p0 $0x0  }
0x9f: {  	[sflag:s0] =	ssyncadd.s32 @!p0 s1  }
0xa0: {  	[bflag:$0x3] =	sbarrier.arrive $0xFFFF  }
0xa1: {  	_ =	shalt  }

</sc_bundles>
